<compile_context>
chip_gen: v7x
topology: tpu7x:2x2x1
jax: 0.10.2.dev20260603
libtpu: 0.0.44.dev20260713+nightly
codegen_flags: <defaults>
</compile_context>

<pallas_src>
import functools

import jax
import jax.numpy as jnp
from jax import lax
from jax.experimental import pallas as pl
from jax.experimental.pallas import tpu as pltpu
from jax.experimental.pallas import tpu_sc as plsc

KH, KW = 2, 2
DH, DW = 2, 2


def _unpool_sc(sv, sk, n_planes, n_in, n_out):
    info = plsc.get_sparse_core_info()
    NC, NS, L = info.num_cores, info.num_subcores, info.num_lanes
    NW = NC * NS
    planes_per_w = n_planes // NW
    n_in_vecs = n_in // L
    n_out_vecs = n_out // L

    mesh = plsc.VectorSubcoreMesh(core_axis_name="c", subcore_axis_name="s")

    UZ = 8
    US = 4

    @functools.partial(
        pl.kernel,
        mesh=mesh,
        compiler_params=pltpu.CompilerParams(needs_layout_passes=False),
        out_type=jax.ShapeDtypeStruct((n_planes * n_out,), jnp.float32),
        scratch_types=[
            pltpu.VMEM((n_in,), jnp.int32),
            pltpu.VMEM((n_in,), jnp.float32),
            pltpu.VMEM((n_out,), jnp.float32),
            pltpu.VMEM((n_out,), jnp.float32),
            pltpu.SemaphoreType.DMA,
            pltpu.SemaphoreType.DMA,
            pltpu.SemaphoreType.DMA,
        ],
    )
    def k(vals_hbm, idx_hbm, out_hbm, idx_v, val_v, out_v0, out_v1,
          in_sem, osem0, osem1):
        wid = lax.axis_index("s") * NC + lax.axis_index("c")
        p_first = wid * planes_per_w

        zeros = jnp.zeros((L,), jnp.float32)

        def zero_buf(buf):
            def zb(i, c):
                for u in range(UZ):
                    buf[pl.ds(i * (L * UZ) + u * L, L)] = zeros
                return c

            lax.fori_loop(0, n_out_vecs // UZ, zb, None)

        def scatter_into(buf, p):
            base = p * n_out

            def sb(i, c):
                for u in range(US):
                    off = i * (L * US) + u * L
                    ids = idx_v[pl.ds(off, L)] - base
                    vs = val_v[pl.ds(off, L)]
                    plsc.store_scatter(buf, [ids], vs)
                return c

            lax.fori_loop(0, n_in_vecs // US, sb, None)

        def fetch_in(p):
            pltpu.async_copy(idx_hbm.at[pl.ds(p * n_in, n_in)], idx_v, in_sem)
            pltpu.async_copy(vals_hbm.at[pl.ds(p * n_in, n_in)], val_v, in_sem)

        def wait_in():
            pltpu.make_async_copy(idx_hbm.at[pl.ds(0, n_in)], idx_v,
                                  in_sem).wait()
            pltpu.make_async_copy(vals_hbm.at[pl.ds(0, n_in)], val_v,
                                  in_sem).wait()

        def drain_out(buf, osem):
            pltpu.make_async_copy(buf, out_hbm.at[pl.ds(0, n_out)],
                                  osem).wait()

        fetch_in(p_first)

        def body(j, _):
            p0 = p_first + 2 * j

            @pl.when(j > 0)
            def _wait0():
                drain_out(out_v0, osem0)

            zero_buf(out_v0)
            wait_in()
            scatter_into(out_v0, p0)
            pltpu.async_copy(out_v0, out_hbm.at[pl.ds(p0 * n_out, n_out)],
                             osem0)
            fetch_in(p0 + 1)

            @pl.when(j > 0)
            def _wait1():
                drain_out(out_v1, osem1)

            zero_buf(out_v1)
            wait_in()
            scatter_into(out_v1, p0 + 1)
            pltpu.async_copy(out_v1,
                             out_hbm.at[pl.ds((p0 + 1) * n_out, n_out)],
                             osem1)

            @pl.when(j < planes_per_w // 2 - 1)
            def _prefetch_next():
                fetch_in(p0 + 2)

            return _

        lax.fori_loop(0, planes_per_w // 2, body, None)
        drain_out(out_v0, osem0)
        drain_out(out_v1, osem1)

    return k(sv, sk)


def kernel(input, indices):
    B, C, H, W = input.shape
    Hout = (H - 1) * DH + KH
    Wout = (W - 1) * DW + KW
    n_planes = B * C
    n_in = H * W
    n_out = Hout * Wout
    vals2d = input.reshape(n_planes, n_in)
    idx2d = indices.reshape(n_planes, n_in).astype(jnp.int32)
    plane_off = jnp.arange(n_planes, dtype=jnp.int32)[:, None] * n_out
    gkeys = (idx2d + plane_off).reshape(-1)
    sk, sv = jax.lax.sort((gkeys, vals2d.reshape(-1)), num_keys=1,
                          is_stable=False)
    out = _unpool_sc(sv, sk, n_planes, n_in, n_out)
    return out.reshape(B, C, Hout, Wout)

# --- scband reference (transcript-rebuilt; emitter-appended) ---
"""Pipeline reference for scband-max-unpool2d-26740466384978 (READ-ONLY COPY).

The authoritative reference and input builder live on the scoring server;
editing this copy changes nothing except your own understanding.
"""

import jax, jax.numpy as jnp
import numpy as np

KH, KW = 2, 2
DH, DW = 2, 2
PADH, PADW = 0, 0


def setup_inputs(seed: int = 0) -> dict:
    key = jax.random.key(seed)
    k1, k2 = jax.random.split(key)
    B, C, H, W = 8, 192, 112, 112
    Hout = (H - 1) * DH + KH - 2 * PADH
    Wout = (W - 1) * DW + KW - 2 * PADW
    x = jax.random.normal(k1, (B, C, H, W), dtype=jnp.float32)
    indices = jax.random.randint(k2, (B, C, H, W), 0, Hout * Wout, dtype=jnp.int32).astype(jnp.int64)
    return {"input": x, "indices": indices}


def reference(input, indices):
    B, C, H, W = input.shape
    Hout = (H - 1) * DH + KH - 2 * PADH
    Wout = (W - 1) * DW + KW - 2 * PADW
    flat_out = jnp.zeros((B, C, Hout * Wout), dtype=input.dtype)
    idx = indices.reshape(B, C, H * W)
    vals = input.reshape(B, C, H * W)
    b = jnp.arange(B)[:, None, None]
    c = jnp.arange(C)[None, :, None]
    out = flat_out.at[b, c, idx].set(vals)
    return out.reshape(B, C, Hout, Wout)

if __name__ == "__main__":
    import jax
    _d = setup_inputs()
    print(jax.jit(kernel)(*tuple(_d.values())))

</pallas_src>

<mosaic_0001>
#map = affine_map<(d0, d1) -> (0)>
module attributes {stable_mosaic.version = 14 : i64} {
  func.func @k(%arg0: i32, %arg1: i32, %arg2: memref<19267584xf32, #tpu.memory_space<hbm>>, %arg3: memref<19267584xi32, #tpu.memory_space<hbm>>, %arg4: memref<77070336xf32, #tpu.memory_space<hbm>>, %arg5: memref<12544xi32, #tpu.memory_space<vmem>>, %arg6: memref<12544xf32, #tpu.memory_space<vmem>>, %arg7: memref<50176xf32, #tpu.memory_space<vmem>>, %arg8: memref<50176xf32, #tpu.memory_space<vmem>>, %arg9: memref<!tpu.dma_semaphore, #tpu.memory_space<semaphore_mem>>, %arg10: memref<!tpu.dma_semaphore, #tpu.memory_space<semaphore_mem>>, %arg11: memref<!tpu.dma_semaphore, #tpu.memory_space<semaphore_mem>>) attributes {dimension_semantics = [#tpu.dimension_semantics<core_parallel>, #tpu.dimension_semantics<subcore_parallel>], iteration_bounds = array<i64: 2, 16>, scalar_prefetch = 0 : i64, scratch_operands = 7 : i64, tpu.core_type = #tpu.core_type<sc_vector_subcore>, window_params = [{transform_indices = #map}, {transform_indices = #map}, {transform_indices = #map}]} {
    %mul3A = arith.constant 2 : i32
    %mul3A_0 = arith.muli %arg1, %mul3A : i32
    %add3A = arith.addi %mul3A_0, %arg0 : i32
    %mul3A_1 = arith.constant 48 : i32
    %mul3A_2 = arith.muli %add3A, %mul3A_1 : i32
    %broadcast_in_dim3A = arith.constant 0.000000e+00 : f32
    %broadcast_in_dim3A_3 = vector.broadcast %broadcast_in_dim3A : f32 to vector<16xf32>
    %mul3A_4 = arith.constant 12544 : i32
    %mul3A_5 = arith.muli %mul3A_2, %mul3A_4 : i32
    %dma_start3A = tpu.memref_slice %arg3[%mul3A_5] : memref<19267584xi32, #tpu.memory_space<hbm>> -> memref<12544xi32, #tpu.memory_space<hbm>>
    %dma_start3A_6 = tpu.memref_slice %arg3[%mul3A_5] : memref<19267584xi32, #tpu.memory_space<hbm>> -> memref<12544xi32, #tpu.memory_space<hbm>>
    tpu.enqueue_dma source(%dma_start3A_6 : memref<12544xi32, #tpu.memory_space<hbm>>) target(%arg5 : memref<12544xi32, #tpu.memory_space<vmem>>) target_semaphore(%arg9 : memref<!tpu.dma_semaphore, #tpu.memory_space<semaphore_mem>>)
    %mul3A_7 = arith.constant 12544 : i32
    %mul3A_8 = arith.muli %mul3A_2, %mul3A_7 : i32
    %dma_start3A_9 = tpu.memref_slice %arg2[%mul3A_8] : memref<19267584xf32, #tpu.memory_space<hbm>> -> memref<12544xf32, #tpu.memory_space<hbm>>
    %dma_start3A_10 = tpu.memref_slice %arg2[%mul3A_8] : memref<19267584xf32, #tpu.memory_space<hbm>> -> memref<12544xf32, #tpu.memory_space<hbm>>
    tpu.enqueue_dma source(%dma_start3A_10 : memref<12544xf32, #tpu.memory_space<hbm>>) target(%arg6 : memref<12544xf32, #tpu.memory_space<vmem>>) target_semaphore(%arg9 : memref<!tpu.dma_semaphore, #tpu.memory_space<semaphore_mem>>)
    %scan3A = arith.constant 0 : i32
    %scan3A_11 = arith.constant 24 : i32
    %scan3A_12 = arith.addi %scan3A, %scan3A_11 : i32
    %scan3A_13 = arith.constant 1 : i32
    scf.for %scan3A_22 = %scan3A to %scan3A_12 step %scan3A_13  : i32 {
      %mul3A_23 = arith.constant 2 : i32
      %mul3A_24 = arith.muli %mul3A_23, %scan3A_22 : i32
      %add3A_25 = arith.addi %mul3A_2, %mul3A_24 : i32
      %gt3A = arith.constant 0 : i32
      %gt3A_26 = arith.cmpi sgt, %scan3A_22, %gt3A : i32
      %convert_element_type3A = arith.extui %gt3A_26 : i1 to i32
      %cond3A = arith.constant 0 : i32
      %cond3A_27 = arith.cmpi ne, %convert_element_type3A, %cond3A : i32
      scf.if %cond3A_27 {
        %dma_wait3A_99 = arith.constant 0 : i32
        %dma_wait3A_100 = tpu.memref_slice %arg4[%dma_wait3A_99] : memref<77070336xf32, #tpu.memory_space<hbm>> -> memref<50176xf32, #tpu.memory_space<hbm>>
        %dma_wait3A_101 = arith.constant 0 : i32
        %dma_wait3A_102 = tpu.memref_slice %arg4[%dma_wait3A_101] : memref<77070336xf32, #tpu.memory_space<hbm>> -> memref<50176xf32, #tpu.memory_space<hbm>>
        tpu.wait_dma2 semaphore(%arg10 : memref<!tpu.dma_semaphore, #tpu.memory_space<semaphore_mem>>) src(%arg7 : memref<50176xf32, #tpu.memory_space<vmem>>) dst(%dma_wait3A_102 : memref<50176xf32, #tpu.memory_space<hbm>>)
      } else {
      }
      %scan3A_28 = arith.constant 0 : i32
      %scan3A_29 = arith.constant 392 : i32
      %scan3A_30 = arith.addi %scan3A_28, %scan3A_29 : i32
      %scan3A_31 = arith.constant 1 : i32
      scf.for %scan3A_99 = %scan3A_28 to %scan3A_30 step %scan3A_31  : i32 {
        %mul3A_100 = arith.constant 128 : i32
        %mul3A_101 = arith.muli %scan3A_99, %mul3A_100 : i32
        %add3A_102 = arith.constant 0 : i32
        %add3A_103 = arith.addi %mul3A_101, %add3A_102 : i32
        %swap3A = arith.index_cast %add3A_103 : i32 to index
        %swap3A_104 = tpu.vector_load %arg7[%swap3A] {strides = array<i32>} : memref<50176xf32, #tpu.memory_space<vmem>>, vector<16xf32>,
        tpu.vector_store %arg7[%swap3A], %broadcast_in_dim3A_3 {strides = array<i32>} : memref<50176xf32, #tpu.memory_space<vmem>>, vector<16xf32>,
        %mul3A_105 = arith.constant 128 : i32
        %mul3A_106 = arith.muli %scan3A_99, %mul3A_105 : i32
        %add3A_107 = arith.constant 16 : i32
        %add3A_108 = arith.addi %mul3A_106, %add3A_107 : i32
        %swap3A_109 = arith.index_cast %add3A_108 : i32 to index
        %swap3A_110 = tpu.vector_load %arg7[%swap3A_109] {strides = array<i32>} : memref<50176xf32, #tpu.memory_space<vmem>>, vector<16xf32>,
        tpu.vector_store %arg7[%swap3A_109], %broadcast_in_dim3A_3 {strides = array<i32>} : memref<50176xf32, #tpu.memory_space<vmem>>, vector<16xf32>,
        %mul3A_111 = arith.constant 128 : i32
        %mul3A_112 = arith.muli %scan3A_99, %mul3A_111 : i32
        %add3A_113 = arith.constant 32 : i32
        %add3A_114 = arith.addi %mul3A_112, %add3A_113 : i32
        %swap3A_115 = arith.index_cast %add3A_114 : i32 to index
        %swap3A_116 = tpu.vector_load %arg7[%swap3A_115] {strides = array<i32>} : memref<50176xf32, #tpu.memory_space<vmem>>, vector<16xf32>,
        tpu.vector_store %arg7[%swap3A_115], %broadcast_in_dim3A_3 {strides = array<i32>} : memref<50176xf32, #tpu.memory_space<vmem>>, vector<16xf32>,
        %mul3A_117 = arith.constant 128 : i32
        %mul3A_118 = arith.muli %scan3A_99, %mul3A_117 : i32
        %add3A_119 = arith.constant 48 : i32
        %add3A_120 = arith.addi %mul3A_118, %add3A_119 : i32
        %swap3A_121 = arith.index_cast %add3A_120 : i32 to index
        %swap3A_122 = tpu.vector_load %arg7[%swap3A_121] {strides = array<i32>} : memref<50176xf32, #tpu.memory_space<vmem>>, vector<16xf32>,
        tpu.vector_store %arg7[%swap3A_121], %broadcast_in_dim3A_3 {strides = array<i32>} : memref<50176xf32, #tpu.memory_space<vmem>>, vector<16xf32>,
        %mul3A_123 = arith.constant 128 : i32
        %mul3A_124 = arith.muli %scan3A_99, %mul3A_123 : i32
        %add3A_125 = arith.constant 64 : i32
        %add3A_126 = arith.addi %mul3A_124, %add3A_125 : i32
        %swap3A_127 = arith.index_cast %add3A_126 : i32 to index
        %swap3A_128 = tpu.vector_load %arg7[%swap3A_127] {strides = array<i32>} : memref<50176xf32, #tpu.memory_space<vmem>>, vector<16xf32>,
        tpu.vector_store %arg7[%swap3A_127], %broadcast_in_dim3A_3 {strides = array<i32>} : memref<50176xf32, #tpu.memory_space<vmem>>, vector<16xf32>,
        %mul3A_129 = arith.constant 128 : i32
        %mul3A_130 = arith.muli %scan3A_99, %mul3A_129 : i32
        %add3A_131 = arith.constant 80 : i32
        %add3A_132 = arith.addi %mul3A_130, %add3A_131 : i32
        %swap3A_133 = arith.index_cast %add3A_132 : i32 to index
        %swap3A_134 = tpu.vector_load %arg7[%swap3A_133] {strides = array<i32>} : memref<50176xf32, #tpu.memory_space<vmem>>, vector<16xf32>,
        tpu.vector_store %arg7[%swap3A_133], %broadcast_in_dim3A_3 {strides = array<i32>} : memref<50176xf32, #tpu.memory_space<vmem>>, vector<16xf32>,
        %mul3A_135 = arith.constant 128 : i32
        %mul3A_136 = arith.muli %scan3A_99, %mul3A_135 : i32
        %add3A_137 = arith.constant 96 : i32
        %add3A_138 = arith.addi %mul3A_136, %add3A_137 : i32
        %swap3A_139 = arith.index_cast %add3A_138 : i32 to index
        %swap3A_140 = tpu.vector_load %arg7[%swap3A_139] {strides = array<i32>} : memref<50176xf32, #tpu.memory_space<vmem>>, vector<16xf32>,
        tpu.vector_store %arg7[%swap3A_139], %broadcast_in_dim3A_3 {strides = array<i32>} : memref<50176xf32, #tpu.memory_space<vmem>>, vector<16xf32>,
        %mul3A_141 = arith.constant 128 : i32
        %mul3A_142 = arith.muli %scan3A_99, %mul3A_141 : i32
        %add3A_143 = arith.constant 112 : i32
        %add3A_144 = arith.addi %mul3A_142, %add3A_143 : i32
        %swap3A_145 = arith.index_cast %add3A_144 : i32 to index
        %swap3A_146 = tpu.vector_load %arg7[%swap3A_145] {strides = array<i32>} : memref<50176xf32, #tpu.memory_space<vmem>>, vector<16xf32>,
        tpu.vector_store %arg7[%swap3A_145], %broadcast_in_dim3A_3 {strides = array<i32>} : memref<50176xf32, #tpu.memory_space<vmem>>, vector<16xf32>,
      }
      %scan3A_32 = arith.constant 392 : i32
      %dma_wait3A_33 = arith.constant 0 : i32
      %dma_wait3A_34 = tpu.memref_slice %arg3[%dma_wait3A_33] : memref<19267584xi32, #tpu.memory_space<hbm>> -> memref<12544xi32, #tpu.memory_space<hbm>>
      %dma_wait3A_35 = arith.constant 0 : i32
      %dma_wait3A_36 = tpu.memref_slice %arg3[%dma_wait3A_35] : memref<19267584xi32, #tpu.memory_space<hbm>> -> memref<12544xi32, #tpu.memory_space<hbm>>
      tpu.wait_dma2 semaphore(%arg9 : memref<!tpu.dma_semaphore, #tpu.memory_space<semaphore_mem>>) src(%dma_wait3A_36 : memref<12544xi32, #tpu.memory_space<hbm>>) dst(%arg5 : memref<12544xi32, #tpu.memory_space<vmem>>)
      %dma_wait3A_37 = arith.constant 0 : i32
      %dma_wait3A_38 = tpu.memref_slice %arg2[%dma_wait3A_37] : memref<19267584xf32, #tpu.memory_space<hbm>> -> memref<12544xf32, #tpu.memory_space<hbm>>
      %dma_wait3A_39 = arith.constant 0 : i32
      %dma_wait3A_40 = tpu.memref_slice %arg2[%dma_wait3A_39] : memref<19267584xf32, #tpu.memory_space<hbm>> -> memref<12544xf32, #tpu.memory_space<hbm>>
      tpu.wait_dma2 semaphore(%arg9 : memref<!tpu.dma_semaphore, #tpu.memory_space<semaphore_mem>>) src(%dma_wait3A_40 : memref<12544xf32, #tpu.memory_space<hbm>>) dst(%arg6 : memref<12544xf32, #tpu.memory_space<vmem>>)
      %mul3A_41 = arith.constant 50176 : i32
      %mul3A_42 = arith.muli %add3A_25, %mul3A_41 : i32
      %scan3A_43 = arith.constant 0 : i32
      %scan3A_44 = arith.constant 196 : i32
      %scan3A_45 = arith.addi %scan3A_43, %scan3A_44 : i32
      %scan3A_46 = arith.constant 1 : i32
      scf.for %scan3A_99 = %scan3A_43 to %scan3A_45 step %scan3A_46  : i32 {
        %mul3A_100 = arith.constant 64 : i32
        %mul3A_101 = arith.muli %scan3A_99, %mul3A_100 : i32
        %add3A_102 = arith.constant 0 : i32
        %add3A_103 = arith.addi %mul3A_101, %add3A_102 : i32
        %get3A = arith.index_cast %add3A_103 : i32 to index
        %get3A_104 = tpu.vector_load %arg5[%get3A] {strides = array<i32>} : memref<12544xi32, #tpu.memory_space<vmem>>, vector<16xi32>,
        %sub3A = vector.broadcast %mul3A_42 : i32 to vector<16xi32>
        %sub3A_105 = arith.subi %get3A_104, %sub3A : vector<16xi32>
        %get3A_106 = arith.index_cast %add3A_103 : i32 to index
        %get3A_107 = tpu.vector_load %arg6[%get3A_106] {strides = array<i32>} : memref<12544xf32, #tpu.memory_space<vmem>>, vector<16xf32>,
        tpu.vector_store_idx %arg7[%sub3A_105], %get3A_107 : memref<50176xf32, #tpu.memory_space<vmem>>[vector<16xi32>], vector<16xf32>,
        %mul3A_108 = arith.constant 64 : i32
        %mul3A_109 = arith.muli %scan3A_99, %mul3A_108 : i32
        %add3A_110 = arith.constant 16 : i32
        %add3A_111 = arith.addi %mul3A_109, %add3A_110 : i32
        %get3A_112 = arith.index_cast %add3A_111 : i32 to index
        %get3A_113 = tpu.vector_load %arg5[%get3A_112] {strides = array<i32>} : memref<12544xi32, #tpu.memory_space<vmem>>, vector<16xi32>,
        %sub3A_114 = vector.broadcast %mul3A_42 : i32 to vector<16xi32>
        %sub3A_115 = arith.subi %get3A_113, %sub3A_114 : vector<16xi32>
        %get3A_116 = arith.index_cast %add3A_111 : i32 to index
        %get3A_117 = tpu.vector_load %arg6[%get3A_116] {strides = array<i32>} : memref<12544xf32, #tpu.memory_space<vmem>>, vector<16xf32>,
        tpu.vector_store_idx %arg7[%sub3A_115], %get3A_117 : memref<50176xf32, #tpu.memory_space<vmem>>[vector<16xi32>], vector<16xf32>,
        %mul3A_118 = arith.constant 64 : i32
        %mul3A_119 = arith.muli %scan3A_99, %mul3A_118 : i32
        %add3A_120 = arith.constant 32 : i32
        %add3A_121 = arith.addi %mul3A_119, %add3A_120 : i32
        %get3A_122 = arith.index_cast %add3A_121 : i32 to index
        %get3A_123 = tpu.vector_load %arg5[%get3A_122] {strides = array<i32>} : memref<12544xi32, #tpu.memory_space<vmem>>, vector<16xi32>,
        %sub3A_124 = vector.broadcast %mul3A_42 : i32 to vector<16xi32>
        %sub3A_125 = arith.subi %get3A_123, %sub3A_124 : vector<16xi32>
        %get3A_126 = arith.index_cast %add3A_121 : i32 to index
        %get3A_127 = tpu.vector_load %arg6[%get3A_126] {strides = array<i32>} : memref<12544xf32, #tpu.memory_space<vmem>>, vector<16xf32>,
        tpu.vector_store_idx %arg7[%sub3A_125], %get3A_127 : memref<50176xf32, #tpu.memory_space<vmem>>[vector<16xi32>], vector<16xf32>,
        %mul3A_128 = arith.constant 64 : i32
        %mul3A_129 = arith.muli %scan3A_99, %mul3A_128 : i32
        %add3A_130 = arith.constant 48 : i32
        %add3A_131 = arith.addi %mul3A_129, %add3A_130 : i32
        %get3A_132 = arith.index_cast %add3A_131 : i32 to index
        %get3A_133 = tpu.vector_load %arg5[%get3A_132] {strides = array<i32>} : memref<12544xi32, #tpu.memory_space<vmem>>, vector<16xi32>,
        %sub3A_134 = vector.broadcast %mul3A_42 : i32 to vector<16xi32>
        %sub3A_135 = arith.subi %get3A_133, %sub3A_134 : vector<16xi32>
        %get3A_136 = arith.index_cast %add3A_131 : i32 to index
        %get3A_137 = tpu.vector_load %arg6[%get3A_136] {strides = array<i32>} : memref<12544xf32, #tpu.memory_space<vmem>>, vector<16xf32>,
        tpu.vector_store_idx %arg7[%sub3A_135], %get3A_137 : memref<50176xf32, #tpu.memory_space<vmem>>[vector<16xi32>], vector<16xf32>,
      }
      %scan3A_47 = arith.constant 196 : i32
      %mul3A_48 = arith.constant 50176 : i32
      %mul3A_49 = arith.muli %add3A_25, %mul3A_48 : i32
      %dma_start3A_50 = tpu.memref_slice %arg4[%mul3A_49] : memref<77070336xf32, #tpu.memory_space<hbm>> -> memref<50176xf32, #tpu.memory_space<hbm>>
      %dma_start3A_51 = tpu.memref_slice %arg4[%mul3A_49] : memref<77070336xf32, #tpu.memory_space<hbm>> -> memref<50176xf32, #tpu.memory_space<hbm>>
      tpu.enqueue_dma source(%arg7 : memref<50176xf32, #tpu.memory_space<vmem>>) target(%dma_start3A_51 : memref<50176xf32, #tpu.memory_space<hbm>>) target_semaphore(%arg10 : memref<!tpu.dma_semaphore, #tpu.memory_space<semaphore_mem>>)
      %add3A_52 = arith.constant 1 : i32
      %add3A_53 = arith.addi %add3A_25, %add3A_52 : i32
      %mul3A_54 = arith.constant 12544 : i32
      %mul3A_55 = arith.muli %add3A_53, %mul3A_54 : i32
      %dma_start3A_56 = tpu.memref_slice %arg3[%mul3A_55] : memref<19267584xi32, #tpu.memory_space<hbm>> -> memref<12544xi32, #tpu.memory_space<hbm>>
      %dma_start3A_57 = tpu.memref_slice %arg3[%mul3A_55] : memref<19267584xi32, #tpu.memory_space<hbm>> -> memref<12544xi32, #tpu.memory_space<hbm>>
      tpu.enqueue_dma source(%dma_start3A_57 : memref<12544xi32, #tpu.memory_space<hbm>>) target(%arg5 : memref<12544xi32, #tpu.memory_space<vmem>>) target_semaphore(%arg9 : memref<!tpu.dma_semaphore, #tpu.memory_space<semaphore_mem>>)
      %mul3A_58 = arith.constant 12544 : i32
      %mul3A_59 = arith.muli %add3A_53, %mul3A_58 : i32
      %dma_start3A_60 = tpu.memref_slice %arg2[%mul3A_59] : memref<19267584xf32, #tpu.memory_space<hbm>> -> memref<12544xf32, #tpu.memory_space<hbm>>
      %dma_start3A_61 = tpu.memref_slice %arg2[%mul3A_59] : memref<19267584xf32, #tpu.memory_space<hbm>> -> memref<12544xf32, #tpu.memory_space<hbm>>
      tpu.enqueue_dma source(%dma_start3A_61 : memref<12544xf32, #tpu.memory_space<hbm>>) target(%arg6 : memref<12544xf32, #tpu.memory_space<vmem>>) target_semaphore(%arg9 : memref<!tpu.dma_semaphore, #tpu.memory_space<semaphore_mem>>)
      %gt3A_62 = arith.constant 0 : i32
      %gt3A_63 = arith.cmpi sgt, %scan3A_22, %gt3A_62 : i32
      %convert_element_type3A_64 = arith.extui %gt3A_63 : i1 to i32
      %cond3A_65 = arith.constant 0 : i32
      %cond3A_66 = arith.cmpi ne, %convert_element_type3A_64, %cond3A_65 : i32
      scf.if %cond3A_66 {
        %dma_wait3A_99 = arith.constant 0 : i32
        %dma_wait3A_100 = tpu.memref_slice %arg4[%dma_wait3A_99] : memref<77070336xf32, #tpu.memory_space<hbm>> -> memref<50176xf32, #tpu.memory_space<hbm>>
        %dma_wait3A_101 = arith.constant 0 : i32
        %dma_wait3A_102 = tpu.memref_slice %arg4[%dma_wait3A_101] : memref<77070336xf32, #tpu.memory_space<hbm>> -> memref<50176xf32, #tpu.memory_space<hbm>>
        tpu.wait_dma2 semaphore(%arg11 : memref<!tpu.dma_semaphore, #tpu.memory_space<semaphore_mem>>) src(%arg8 : memref<50176xf32, #tpu.memory_space<vmem>>) dst(%dma_wait3A_102 : memref<50176xf32, #tpu.memory_space<hbm>>)
      } else {
      }
      %scan3A_67 = arith.constant 0 : i32
      %scan3A_68 = arith.constant 392 : i32
      %scan3A_69 = arith.addi %scan3A_67, %scan3A_68 : i32
      %scan3A_70 = arith.constant 1 : i32
      scf.for %scan3A_99 = %scan3A_67 to %scan3A_69 step %scan3A_70  : i32 {
        %mul3A_100 = arith.constant 128 : i32
        %mul3A_101 = arith.muli %scan3A_99, %mul3A_100 : i32
        %add3A_102 = arith.constant 0 : i32
        %add3A_103 = arith.addi %mul3A_101, %add3A_102 : i32
        %swap3A = arith.index_cast %add3A_103 : i32 to index
        %swap3A_104 = tpu.vector_load %arg8[%swap3A] {strides = array<i32>} : memref<50176xf32, #tpu.memory_space<vmem>>, vector<16xf32>,
        tpu.vector_store %arg8[%swap3A], %broadcast_in_dim3A_3 {strides = array<i32>} : memref<50176xf32, #tpu.memory_space<vmem>>, vector<16xf32>,
        %mul3A_105 = arith.constant 128 : i32
        %mul3A_106 = arith.muli %scan3A_99, %mul3A_105 : i32
        %add3A_107 = arith.constant 16 : i32
        %add3A_108 = arith.addi %mul3A_106, %add3A_107 : i32
        %swap3A_109 = arith.index_cast %add3A_108 : i32 to index
        %swap3A_110 = tpu.vector_load %arg8[%swap3A_109] {strides = array<i32>} : memref<50176xf32, #tpu.memory_space<vmem>>, vector<16xf32>,
        tpu.vector_store %arg8[%swap3A_109], %broadcast_in_dim3A_3 {strides = array<i32>} : memref<50176xf32, #tpu.memory_space<vmem>>, vector<16xf32>,
        %mul3A_111 = arith.constant 128 : i32
        %mul3A_112 = arith.muli %scan3A_99, %mul3A_111 : i32
        %add3A_113 = arith.constant 32 : i32
        %add3A_114 = arith.addi %mul3A_112, %add3A_113 : i32
        %swap3A_115 = arith.index_cast %add3A_114 : i32 to index
        %swap3A_116 = tpu.vector_load %arg8[%swap3A_115] {strides = array<i32>} : memref<50176xf32, #tpu.memory_space<vmem>>, vector<16xf32>,
        tpu.vector_store %arg8[%swap3A_115], %broadcast_in_dim3A_3 {strides = array<i32>} : memref<50176xf32, #tpu.memory_space<vmem>>, vector<16xf32>,
        %mul3A_117 = arith.constant 128 : i32
        %mul3A_118 = arith.muli %scan3A_99, %mul3A_117 : i32
        %add3A_119 = arith.constant 48 : i32
        %add3A_120 = arith.addi %mul3A_118, %add3A_119 : i32
        %swap3A_121 = arith.index_cast %add3A_120 : i32 to index
        %swap3A_122 = tpu.vector_load %arg8[%swap3A_121] {strides = array<i32>} : memref<50176xf32, #tpu.memory_space<vmem>>, vector<16xf32>,
        tpu.vector_store %arg8[%swap3A_121], %broadcast_in_dim3A_3 {strides = array<i32>} : memref<50176xf32, #tpu.memory_space<vmem>>, vector<16xf32>,
        %mul3A_123 = arith.constant 128 : i32
        %mul3A_124 = arith.muli %scan3A_99, %mul3A_123 : i32
        %add3A_125 = arith.constant 64 : i32
        %add3A_126 = arith.addi %mul3A_124, %add3A_125 : i32
        %swap3A_127 = arith.index_cast %add3A_126 : i32 to index
        %swap3A_128 = tpu.vector_load %arg8[%swap3A_127] {strides = array<i32>} : memref<50176xf32, #tpu.memory_space<vmem>>, vector<16xf32>,
        tpu.vector_store %arg8[%swap3A_127], %broadcast_in_dim3A_3 {strides = array<i32>} : memref<50176xf32, #tpu.memory_space<vmem>>, vector<16xf32>,
        %mul3A_129 = arith.constant 128 : i32
        %mul3A_130 = arith.muli %scan3A_99, %mul3A_129 : i32
        %add3A_131 = arith.constant 80 : i32
        %add3A_132 = arith.addi %mul3A_130, %add3A_131 : i32
        %swap3A_133 = arith.index_cast %add3A_132 : i32 to index
        %swap3A_134 = tpu.vector_load %arg8[%swap3A_133] {strides = array<i32>} : memref<50176xf32, #tpu.memory_space<vmem>>, vector<16xf32>,
        tpu.vector_store %arg8[%swap3A_133], %broadcast_in_dim3A_3 {strides = array<i32>} : memref<50176xf32, #tpu.memory_space<vmem>>, vector<16xf32>,
        %mul3A_135 = arith.constant 128 : i32
        %mul3A_136 = arith.muli %scan3A_99, %mul3A_135 : i32
        %add3A_137 = arith.constant 96 : i32
        %add3A_138 = arith.addi %mul3A_136, %add3A_137 : i32
        %swap3A_139 = arith.index_cast %add3A_138 : i32 to index
        %swap3A_140 = tpu.vector_load %arg8[%swap3A_139] {strides = array<i32>} : memref<50176xf32, #tpu.memory_space<vmem>>, vector<16xf32>,
        tpu.vector_store %arg8[%swap3A_139], %broadcast_in_dim3A_3 {strides = array<i32>} : memref<50176xf32, #tpu.memory_space<vmem>>, vector<16xf32>,
        %mul3A_141 = arith.constant 128 : i32
        %mul3A_142 = arith.muli %scan3A_99, %mul3A_141 : i32
        %add3A_143 = arith.constant 112 : i32
        %add3A_144 = arith.addi %mul3A_142, %add3A_143 : i32
        %swap3A_145 = arith.index_cast %add3A_144 : i32 to index
        %swap3A_146 = tpu.vector_load %arg8[%swap3A_145] {strides = array<i32>} : memref<50176xf32, #tpu.memory_space<vmem>>, vector<16xf32>,
        tpu.vector_store %arg8[%swap3A_145], %broadcast_in_dim3A_3 {strides = array<i32>} : memref<50176xf32, #tpu.memory_space<vmem>>, vector<16xf32>,
      }
      %scan3A_71 = arith.constant 392 : i32
      %dma_wait3A_72 = arith.constant 0 : i32
      %dma_wait3A_73 = tpu.memref_slice %arg3[%dma_wait3A_72] : memref<19267584xi32, #tpu.memory_space<hbm>> -> memref<12544xi32, #tpu.memory_space<hbm>>
      %dma_wait3A_74 = arith.constant 0 : i32
      %dma_wait3A_75 = tpu.memref_slice %arg3[%dma_wait3A_74] : memref<19267584xi32, #tpu.memory_space<hbm>> -> memref<12544xi32, #tpu.memory_space<hbm>>
      tpu.wait_dma2 semaphore(%arg9 : memref<!tpu.dma_semaphore, #tpu.memory_space<semaphore_mem>>) src(%dma_wait3A_75 : memref<12544xi32, #tpu.memory_space<hbm>>) dst(%arg5 : memref<12544xi32, #tpu.memory_space<vmem>>)
      %dma_wait3A_76 = arith.constant 0 : i32
      %dma_wait3A_77 = tpu.memref_slice %arg2[%dma_wait3A_76] : memref<19267584xf32, #tpu.memory_space<hbm>> -> memref<12544xf32, #tpu.memory_space<hbm>>
      %dma_wait3A_78 = arith.constant 0 : i32
      %dma_wait3A_79 = tpu.memref_slice %arg2[%dma_wait3A_78] : memref<19267584xf32, #tpu.memory_space<hbm>> -> memref<12544xf32, #tpu.memory_space<hbm>>
      tpu.wait_dma2 semaphore(%arg9 : memref<!tpu.dma_semaphore, #tpu.memory_space<semaphore_mem>>) src(%dma_wait3A_79 : memref<12544xf32, #tpu.memory_space<hbm>>) dst(%arg6 : memref<12544xf32, #tpu.memory_space<vmem>>)
      %add3A_80 = arith.constant 1 : i32
      %add3A_81 = arith.addi %add3A_25, %add3A_80 : i32
      %mul3A_82 = arith.constant 50176 : i32
      %mul3A_83 = arith.muli %add3A_81, %mul3A_82 : i32
      %scan3A_84 = arith.constant 0 : i32
      %scan3A_85 = arith.constant 196 : i32
      %scan3A_86 = arith.addi %scan3A_84, %scan3A_85 : i32
      %scan3A_87 = arith.constant 1 : i32
      scf.for %scan3A_99 = %scan3A_84 to %scan3A_86 step %scan3A_87  : i32 {
        %mul3A_100 = arith.constant 64 : i32
        %mul3A_101 = arith.muli %scan3A_99, %mul3A_100 : i32
        %add3A_102 = arith.constant 0 : i32
        %add3A_103 = arith.addi %mul3A_101, %add3A_102 : i32
        %get3A = arith.index_cast %add3A_103 : i32 to index
        %get3A_104 = tpu.vector_load %arg5[%get3A] {strides = array<i32>} : memref<12544xi32, #tpu.memory_space<vmem>>, vector<16xi32>,
        %sub3A = vector.broadcast %mul3A_83 : i32 to vector<16xi32>
        %sub3A_105 = arith.subi %get3A_104, %sub3A : vector<16xi32>
        %get3A_106 = arith.index_cast %add3A_103 : i32 to index
        %get3A_107 = tpu.vector_load %arg6[%get3A_106] {strides = array<i32>} : memref<12544xf32, #tpu.memory_space<vmem>>, vector<16xf32>,
        tpu.vector_store_idx %arg8[%sub3A_105], %get3A_107 : memref<50176xf32, #tpu.memory_space<vmem>>[vector<16xi32>], vector<16xf32>,
        %mul3A_108 = arith.constant 64 : i32
        %mul3A_109 = arith.muli %scan3A_99, %mul3A_108 : i32
        %add3A_110 = arith.constant 16 : i32
        %add3A_111 = arith.addi %mul3A_109, %add3A_110 : i32
        %get3A_112 = arith.index_cast %add3A_111 : i32 to index
        %get3A_113 = tpu.vector_load %arg5[%get3A_112] {strides = array<i32>} : memref<12544xi32, #tpu.memory_space<vmem>>, vector<16xi32>,
        %sub3A_114 = vector.broadcast %mul3A_83 : i32 to vector<16xi32>
        %sub3A_115 = arith.subi %get3A_113, %sub3A_114 : vector<16xi32>
        %get3A_116 = arith.index_cast %add3A_111 : i32 to index
        %get3A_117 = tpu.vector_load %arg6[%get3A_116] {strides = array<i32>} : memref<12544xf32, #tpu.memory_space<vmem>>, vector<16xf32>,
        tpu.vector_store_idx %arg8[%sub3A_115], %get3A_117 : memref<50176xf32, #tpu.memory_space<vmem>>[vector<16xi32>], vector<16xf32>,
        %mul3A_118 = arith.constant 64 : i32
        %mul3A_119 = arith.muli %scan3A_99, %mul3A_118 : i32
        %add3A_120 = arith.constant 32 : i32
        %add3A_121 = arith.addi %mul3A_119, %add3A_120 : i32
        %get3A_122 = arith.index_cast %add3A_121 : i32 to index
        %get3A_123 = tpu.vector_load %arg5[%get3A_122] {strides = array<i32>} : memref<12544xi32, #tpu.memory_space<vmem>>, vector<16xi32>,
        %sub3A_124 = vector.broadcast %mul3A_83 : i32 to vector<16xi32>
        %sub3A_125 = arith.subi %get3A_123, %sub3A_124 : vector<16xi32>
        %get3A_126 = arith.index_cast %add3A_121 : i32 to index
        %get3A_127 = tpu.vector_load %arg6[%get3A_126] {strides = array<i32>} : memref<12544xf32, #tpu.memory_space<vmem>>, vector<16xf32>,
        tpu.vector_store_idx %arg8[%sub3A_125], %get3A_127 : memref<50176xf32, #tpu.memory_space<vmem>>[vector<16xi32>], vector<16xf32>,
        %mul3A_128 = arith.constant 64 : i32
        %mul3A_129 = arith.muli %scan3A_99, %mul3A_128 : i32
        %add3A_130 = arith.constant 48 : i32
        %add3A_131 = arith.addi %mul3A_129, %add3A_130 : i32
        %get3A_132 = arith.index_cast %add3A_131 : i32 to index
        %get3A_133 = tpu.vector_load %arg5[%get3A_132] {strides = array<i32>} : memref<12544xi32, #tpu.memory_space<vmem>>, vector<16xi32>,
        %sub3A_134 = vector.broadcast %mul3A_83 : i32 to vector<16xi32>
        %sub3A_135 = arith.subi %get3A_133, %sub3A_134 : vector<16xi32>
        %get3A_136 = arith.index_cast %add3A_131 : i32 to index
        %get3A_137 = tpu.vector_load %arg6[%get3A_136] {strides = array<i32>} : memref<12544xf32, #tpu.memory_space<vmem>>, vector<16xf32>,
        tpu.vector_store_idx %arg8[%sub3A_135], %get3A_137 : memref<50176xf32, #tpu.memory_space<vmem>>[vector<16xi32>], vector<16xf32>,
      }
      %scan3A_88 = arith.constant 196 : i32
      %add3A_89 = arith.constant 1 : i32
      %add3A_90 = arith.addi %add3A_25, %add3A_89 : i32
      %mul3A_91 = arith.constant 50176 : i32
      %mul3A_92 = arith.muli %add3A_90, %mul3A_91 : i32
      %dma_start3A_93 = tpu.memref_slice %arg4[%mul3A_92] : memref<77070336xf32, #tpu.memory_space<hbm>> -> memref<50176xf32, #tpu.memory_space<hbm>>
      %dma_start3A_94 = tpu.memref_slice %arg4[%mul3A_92] : memref<77070336xf32, #tpu.memory_space<hbm>> -> memref<50176xf32, #tpu.memory_space<hbm>>
      tpu.enqueue_dma source(%arg8 : memref<50176xf32, #tpu.memory_space<vmem>>) target(%dma_start3A_94 : memref<50176xf32, #tpu.memory_space<hbm>>) target_semaphore(%arg11 : memref<!tpu.dma_semaphore, #tpu.memory_space<semaphore_mem>>)
      %lt3A = arith.constant 23 : i32
      %lt3A_95 = arith.cmpi slt, %scan3A_22, %lt3A : i32
      %convert_element_type3A_96 = arith.extui %lt3A_95 : i1 to i32
      %cond3A_97 = arith.constant 0 : i32
      %cond3A_98 = arith.cmpi ne, %convert_element_type3A_96, %cond3A_97 : i32
      scf.if %cond3A_98 {
        %add3A_99 = arith.constant 2 : i32
        %add3A_100 = arith.addi %add3A_25, %add3A_99 : i32
        %mul3A_101 = arith.constant 12544 : i32
        %mul3A_102 = arith.muli %add3A_100, %mul3A_101 : i32
        %dma_start3A_103 = tpu.memref_slice %arg3[%mul3A_102] : memref<19267584xi32, #tpu.memory_space<hbm>> -> memref<12544xi32, #tpu.memory_space<hbm>>
        %dma_start3A_104 = tpu.memref_slice %arg3[%mul3A_102] : memref<19267584xi32, #tpu.memory_space<hbm>> -> memref<12544xi32, #tpu.memory_space<hbm>>
        tpu.enqueue_dma source(%dma_start3A_104 : memref<12544xi32, #tpu.memory_space<hbm>>) target(%arg5 : memref<12544xi32, #tpu.memory_space<vmem>>) target_semaphore(%arg9 : memref<!tpu.dma_semaphore, #tpu.memory_space<semaphore_mem>>)
        %mul3A_105 = arith.constant 12544 : i32
        %mul3A_106 = arith.muli %add3A_100, %mul3A_105 : i32
        %dma_start3A_107 = tpu.memref_slice %arg2[%mul3A_106] : memref<19267584xf32, #tpu.memory_space<hbm>> -> memref<12544xf32, #tpu.memory_space<hbm>>
        %dma_start3A_108 = tpu.memref_slice %arg2[%mul3A_106] : memref<19267584xf32, #tpu.memory_space<hbm>> -> memref<12544xf32, #tpu.memory_space<hbm>>
        tpu.enqueue_dma source(%dma_start3A_108 : memref<12544xf32, #tpu.memory_space<hbm>>) target(%arg6 : memref<12544xf32, #tpu.memory_space<vmem>>) target_semaphore(%arg9 : memref<!tpu.dma_semaphore, #tpu.memory_space<semaphore_mem>>)
      } else {
      }
    }
    %scan3A_14 = arith.constant 24 : i32
    %dma_wait3A = arith.constant 0 : i32
    %dma_wait3A_15 = tpu.memref_slice %arg4[%dma_wait3A] : memref<77070336xf32, #tpu.memory_space<hbm>> -> memref<50176xf32, #tpu.memory_space<hbm>>
    %dma_wait3A_16 = arith.constant 0 : i32
    %dma_wait3A_17 = tpu.memref_slice %arg4[%dma_wait3A_16] : memref<77070336xf32, #tpu.memory_space<hbm>> -> memref<50176xf32, #tpu.memory_space<hbm>>
    tpu.wait_dma2 semaphore(%arg10 : memref<!tpu.dma_semaphore, #tpu.memory_space<semaphore_mem>>) src(%arg7 : memref<50176xf32, #tpu.memory_space<vmem>>) dst(%dma_wait3A_17 : memref<50176xf32, #tpu.memory_space<hbm>>)
    %dma_wait3A_18 = arith.constant 0 : i32
    %dma_wait3A_19 = tpu.memref_slice %arg4[%dma_wait3A_18] : memref<77070336xf32, #tpu.memory_space<hbm>> -> memref<50176xf32, #tpu.memory_space<hbm>>
    %dma_wait3A_20 = arith.constant 0 : i32
    %dma_wait3A_21 = tpu.memref_slice %arg4[%dma_wait3A_20] : memref<77070336xf32, #tpu.memory_space<hbm>> -> memref<50176xf32, #tpu.memory_space<hbm>>
    tpu.wait_dma2 semaphore(%arg11 : memref<!tpu.dma_semaphore, #tpu.memory_space<semaphore_mem>>) src(%arg8 : memref<50176xf32, #tpu.memory_space<vmem>>) dst(%dma_wait3A_21 : memref<50176xf32, #tpu.memory_space<hbm>>)
    return
  }
}

</mosaic_0001>

<sc_bundles>
// kernel: kernel.3.cloned.1.call-start
scs
__scs_entry_jumppad:
0x0: {  	(pc) =	sbr.rel $0x88, $3  }
0x1: {  	(tag) =	ssettag $0x0;
	lr =	simm.s32 $0x1  }
0x2: {  	[smem:$0x3F9F] =	sst lr;
	_ =	strace $0xD0000000  }
0x3: {  	_ = 	snop  }
0x4: {  	_ = 	snop  }
0x5: {  	_ = 	snop  }
0x6: {  	_ = 	snop  }
0x7: {  	_ = 	snop  }
__scs_overlays_trampoline_lowered:
0x8: {  	[smem:$0x3FAE] =	sst s0  }
0x9: {  	[smem:$0x3FAF] =	sst s1  }
0xa: {  	[smem:$0x3FB0] =	sst s2  }
0xb: {  	[smem:$0x3FB1] =	sst s3  }
0xc: {  	[smem:$0x3FB2] =	sst s4  }
0xd: {  	[smem:$0x3FB3] =	sst s5  }
0xe: {  	[smem:$0x3FB4] =	sst s6  }
0xf: {  	[smem:$0x3FB5] =	sst s7  }
0x10: {  	[smem:$0x3FB6] =	sst s8  }
0x11: {  	[smem:$0x3FB7] =	sst s9;
	s0 =	simm.s32 @!p0 $0x0  }
0x12: {  	s1 =	sld [smem:$0x3F9D];
	s0 =	simm.s32 @p0 $0x1  }
0x13: {  	[smem:$0x3FB8] =	sst s0;
	s0 =	simm.s32 @!p1 $0x0  }
0x14: {  	s2 =	sld [smem:$0x3F9C];
	s0 =	simm.s32 @p1 $0x1  }
0x15: {  	[smem:$0x3FB9] =	sst s0;
	s0 =	simm.s32 @!p2 $0x0  }
0x16: {  	s3 =	sld [smem:$0x3FDB];
	s0 =	simm.s32 @p2 $0x1  }
0x17: {  	s4 =	simm.s32 $0x1BF5;
	[smem:$0x3FBB] =	sst s0  }
0x18: {  	s0 =	sld [smem:$0x3F9E];
	_ =	swait.ge [sflag:s4], $0x0  }
0x19: {  	s7 =	sld [smem:$0x3F9F]  }
0x1a: {  	s8 =	sadd.s32 $0xFFFFE003, lr  }
0x1b: {  	s9 =	sadd.s32 $0xFFFFFEF7, lr;
	s5 =	simm.s32 $0xFFFFFFFF;
	p2 =	slt.u32 s8, $0xFFFFF086  }
0x1c: {  	p1 =	slt.u32 s9, $0xF7A;
	s5 =	simm.s32 @!p2 $0x0  }
0x1d: {  	s5 =	simm.s32 @p1 $0x1;
	p0 =	seq.s32 s7, s2  }
0x1e: {  	s7 =	smul.u32 @!p0 $0xF7A, s2;
	p2 =	seq.s32 @!p0 s5, $0x0  }
0x1f: {  	s9 =	smul.u32 $0xF7A, s1;
	s8 =	simm.s32 @!p0 $0x1BF5;
	p2 =	por !p2, p0  }
0x20: {  	[sflag:s8] =	ssyncset.s32 @!p0 $0xFFFFF086;
	s6 =	sadd.s32 @!p0 s3, s7;
	s7 =	simm.s32 @!p0 $0x108  }
0x21: {  	s3 =	sadd.s32 s3, s9;
	s6 =	sadd.s32 @!p0 $0x88, s6;
	s7 =	simm.s32 @p2 $0x1082  }
0x22: {  	[simem:s7], [sflag:s8] =	dma.local @!p0 [hbm:s6], $0xF7A  }
0x23: {  	s9 =	sor.u32 $0xD0000000, s2;
	s6 =	simm.s32 $0x108;
	_ =	swait.ge @!p0 [sflag:s8], $0x0  }
0x24: {  	s3 =	sadd.s32 $0x88, s3;
	s6 =	simm.s32 @!p1 $0x1082;
	[sflag:s4] =	ssyncset.s32 $0xFFFFF086  }
0x25: {  	[simem:s6], [sflag:s4] =	dma.local [hbm:s3], $0xF7A  }
0x26: {  	[smem:$0x3F9F] =	sst s1;
	(tag) =	ssettag s2;
	_ =	strace s9  }
0x27: {  	s1 =	sld [smem:$0x3FAF]  }
0x28: {  	s2 =	sld [smem:$0x3FB0]  }
0x29: {  	s4 =	sld [smem:$0x3FB2]  }
0x2a: {  	p0 =	seq.s32 s5, $0x0;
	s5 =	sld [smem:$0x3FB3]  }
0x2b: {  	s6 =	sld [smem:$0x3FB4]  }
0x2c: {  	s7 =	sld [smem:$0x3FB5]  }
0x2d: {  	s3 =	simm.s32 $0x108;
	s8 =	sld [smem:$0x3FB6]  }
0x2e: {  	s3 =	simm.s32 @!p0 $0x1082;
	s9 =	sld [smem:$0x3FB7]  }
0x2f: {  	lr =	sadd.s32 s0, s3;
	s0 =	sld [smem:$0x3FAE]  }
0x30: {  	s3 =	sld [smem:$0x3FB1]  }
0x31: {  	[smem:$0x3FBA] =	sst s10  }
0x32: {  	s10 =	sld [smem:$0x3FB8];
	_ =	sdelay $0x3  }
0x33: {  	p0 =	seq.s32 s10, $0x1;
	s10 =	sld [smem:$0x3FBA];
	_ =	sdelay $0x3  }
0x34: {  	[smem:$0x3FBA] =	sst s10  }
0x35: {  	s10 =	sld [smem:$0x3FB9];
	_ =	sdelay $0x3  }
0x36: {  	p1 =	seq.s32 s10, $0x1;
	s10 =	sld [smem:$0x3FBA];
	_ =	sdelay $0x3  }
0x37: {  	[smem:$0x3FBA] =	sst s10  }
0x38: {  	s10 =	sld [smem:$0x3FBB]  }
0x39: {  	_ = 	snop;
	(pc) =	sbr.ind lr, $3  }
0x3a: {  	_ = 	snop  }
0x3b: {  	_ = 	snop  }
0x3c: {  	p2 =	seq.s32 s10, $0x1;
	s10 =	sld [smem:$0x3FBA]  }
0x3d: {  	_ =	shalt  }
0x3e: {  	_ =	shalt  }
0x3f: {  	_ =	shalt  }
0x40: {  	_ =	shalt  }
0x41: {  	_ =	shalt  }
0x42: {  	_ =	shalt  }
0x43: {  	_ =	shalt  }
0x44: {  	_ =	shalt  }
0x45: {  	_ =	shalt  }
0x46: {  	_ =	shalt  }
0x47: {  	_ =	shalt  }
0x48: {  	_ =	shalt  }
0x49: {  	_ =	shalt  }
0x4a: {  	_ =	shalt  }
0x4b: {  	_ =	shalt  }
0x4c: {  	_ =	shalt  }
0x4d: {  	_ =	shalt  }
0x4e: {  	_ =	shalt  }
0x4f: {  	_ =	shalt  }
0x50: {  	_ =	shalt  }
0x51: {  	_ =	shalt  }
0x52: {  	_ =	shalt  }
0x53: {  	_ =	shalt  }
0x54: {  	_ =	shalt  }
0x55: {  	_ =	shalt  }
0x56: {  	_ =	shalt  }
0x57: {  	_ =	shalt  }
0x58: {  	_ =	shalt  }
0x59: {  	_ =	shalt  }
0x5a: {  	_ =	shalt  }
0x5b: {  	_ =	shalt  }
0x5c: {  	_ =	shalt  }
0x5d: {  	_ =	shalt  }
0x5e: {  	_ =	shalt  }
0x5f: {  	_ =	shalt  }
0x60: {  	_ =	shalt  }
0x61: {  	_ =	shalt  }
0x62: {  	_ =	shalt  }
0x63: {  	_ =	shalt  }
0x64: {  	_ =	shalt  }
0x65: {  	_ =	shalt  }
0x66: {  	_ =	shalt  }
0x67: {  	_ =	shalt  }
0x68: {  	_ =	shalt  }
0x69: {  	_ =	shalt  }
0x6a: {  	_ =	shalt  }
0x6b: {  	_ =	shalt  }
0x6c: {  	_ =	shalt  }
0x6d: {  	_ =	shalt  }
0x6e: {  	_ =	shalt  }
0x6f: {  	_ =	shalt  }
0x70: {  	_ =	shalt  }
0x71: {  	_ =	shalt  }
0x72: {  	_ =	shalt  }
0x73: {  	_ =	shalt  }
0x74: {  	_ =	shalt  }
0x75: {  	_ =	shalt  }
0x76: {  	_ =	shalt  }
0x77: {  	_ =	shalt  }
0x78: {  	_ =	shalt  }
0x79: {  	_ =	shalt  }
0x7a: {  	_ =	shalt  }
0x7b: {  	_ =	shalt  }
0x7c: {  	_ =	shalt  }
0x7d: {  	_ =	shalt  }
0x7e: {  	_ =	shalt  }
0x7f: {  	_ =	shalt  }
0x80: {  	_ =	shalt  }
0x81: {  	_ =	shalt  }
0x82: {  	_ =	shalt  }
0x83: {  	_ =	shalt  }
0x84: {  	_ =	shalt  }
0x85: {  	_ =	shalt  }
0x86: {  	_ =	shalt  }
0x87: {  	_ =	shalt  }
.Lfunc_end0:
.L_simem_size_0:
called_computation_lowered:
.L_overlay_start_0:
0x88: {  	s2 =	sld [smem:$0x3FD9]  }
0x89: {  	s3 =	sld [smem:$0x3FFE];
	_ =	sdelay $0x1  }
0x8a: {  	s1 =	srdreg.scid  }
0x8b: {  	s0 =	sand.u32 $0x1, s1  }
0x8c: {  	s17 =	sshll.u32 s0, $0xA;
	s2 =	sadd.s32 s3, s2  }
0x8d: {  	s2 =	sadd.s32 s2, s17  }
0x8e: {  	[smem:$0x3FC6] =	sst s2  }
0x8f: {  	_ = 	snop  }
0x90: {  	s2 =	sld [smem:$0x3FD0];
	(tm) =	ssettm $0x1  }
0x91: {  	s18 =	sld [smem:$0x3FFB];
	_ =	sdelay $0x3  }
0x92: {  	_ =	strace s18  }
0x93: {  	s3 =	sld [smem:$0x3FFC];
	_ =	sdelay $0x3  }
0x94: {  	_ =	strace s3  }
0x95: {  	s3 =	sld [smem:$0x3FFD];
	_ =	sdelay $0x3  }
0x96: {  	_ =	strace s3  }
0x97: {  	_ =	strace $0x8FFFFFFF  }
0x98: {  	s19 =	sld [smem:$0x3FDB];
	_ =	sdelay $0x1  }
0x99: {  	s4 =	simm.s32 $_scs_section_size  }
0x9a: {  	s5 =	simm.s32 $_size__tile_overlayer_lowered;
	s6 =	simm.s32 $_tile_overlayer_lowered  }
0x9b: {  	s22 =	simm.s32 $0x1BFF;
	s21 =	sshll.u32 s6, $0x1;
	s3 =	sadd.s32 s4, s19  }
0x9c: {  	s7 =	simm.s32 $0x0;
	s20 =	sshll.u32 s5, $0x1;
	s5 =	sadd.s32 s21, s3  }
0x9d: {  	[timem:s7], [sflag:s22] =	dma.local [hbm:s5], s20  }
0x9e: {  	_ =	swait.ge [sflag:s22], s20  }
0x9f: {  	s4 =	ssub.s32 $0x0, s20;
	[sflag:s22] =	ssyncset.done $0x0  }
0xa0: {  	[sflag:s22] =	ssyncadd.s32 s4;
	_ =	sdelay $0x1  }
0xa1: {  	s23 =	simm.s32 $0x1B8B  }
0xa2: {  	_ =	swait.ge [sflag:s23], $0x1  }
0xa3: {  	[sflag:s23] =	ssyncset.done $0x0  }
0xa4: {  	s25 =	simm.s32 $0x1B8E;
	s24 =	sld [smem:$0x3FFE];
	[sflag:s23] =	ssyncadd.s32 $0xFFFFFFFF  }
0xa5: {  	s26 =	simm.s32 $execute0_lowered;
	[smem:$0x3FD2] =	sst s25  }
0xa6: {  	s5 =	sshll.u32 s26, $0x1;
	_ =	strace $0x80000046;
	[dreg:$0x1] =	wrdreg $0xFFFFFFFF  }
0xa7: {  	s28 =	simm.s32 $_size_execute0_lowered;
	s3 =	sadd.s32 s3, s5;
	[dreg:$0x0] =	wrdreg $0x0  }
0xa8: {  	s5 =	sshll.u32 s28, $0x1;
	[dreg:$0x2] =	wrdreg s3  }
0xa9: {  	[dreg:$0x3] =	wrdreg s5  }
0xaa: {  	[dreg:$0x4] =	wrdreg $0xC0  }
0xab: {  	_ =	task [dreg:s7], $0x5FFFF  }
0xac: {  	[dreg:$0x1] =	wrdreg $0xFFFFFFFF  }
0xad: {  	[dreg:$0x0] =	wrdreg $0x60  }
0xae: {  	[dreg:$0x2] =	wrdreg s24  }
0xaf: {  	[dreg:$0x3] =	wrdreg s2  }
0xb0: {  	[dreg:$0x4] =	wrdreg $0x9  }
0xb1: {  	_ =	task.clear_ibuf [dreg:s7], $0x5FFFF;
	_ =	strace $0x90000046  }
0xb2: {  	s29 =	simm.s32 $0x9;
	_ =	strace $0x80000048  }
0xb3: {  	_ =	swait.ge [sflag:s29], $0x1  }
0xb4: {  	[sflag:s29] =	ssyncadd.s32 $0xFFFFFFFF  }
0xb5: {  	_ =	strace $0x90000048  }
0xb6: {  	_ =	sfence  }
0xb7: {  	s30 =	sld [smem:$0x0];
	_ =	sdelay $0x2  }
0xb8: {  	s31 =	sshll.u32 s1, $0xD;
	s1 =	sshrl.u32 s1, $0x2  }
0xb9: {  	s3 =	sand.u32 $0x4000, s31;
	s1 =	sadd.s32 s1, s30  }
0xba: {  	s0 =	sor.u32 s3, s0;
	s1 =	sshll.u32 s1, $0x11  }
0xbb: {  	s0 =	sor.u32 s1, s0  }
0xbc: {  	s0 =	sadd.s32 $0x8F2B, s0  }
0xbd: {  	[sflag:s0] =	ssyncadd.remote.s32 $0x1  }
0xbe: {  	_ =	sfence.sel $0xFFFF  }
0xbf: {  	[dreg:$0x0] =	wrdreg $0xFFFFFFFF;
	(pc) =	sbr.abs _section_cstart, $3  }
0xc0: {  	[dreg:$0x1] =	wrdreg $0xFFFFFFFF  }
0xc1: {  	_ =	task.clear_ibuf [dreg:s7], $0x2FFFF;
	_ =	strace $0x9FFFFFFF  }
0xc2: {  	(tm) =	ssettm $0x7FFFFFFF  }
0xc3: {  	_ =	shalt  }
tec
execute0_lowered:
.L_overlay_start_1:
0x0: {  	(tag) =	ssettag $0x1  }
0x1: {  	s5 =	rddreg [dreg:$0x0]  }
0x2: {  	s2 =	rddreg [dreg:$0x1]  }
0x3: {  	s0 =	rddreg [dreg:$0x2]  }
0x4: {  	s4 =	srdreg.scid;
	s1 =	stileid.u32  }
0x5: {  	s3 =	simm.s32 $0x0;
	s10 =	simm.s32 $0x3100;
	s11 =	simm.s32 $0x1  }
0x6: {  	s12 =	simm.s32 $0x6200;
	s13 =	simm.s32 $0x12600;
	s14 =	simm.s32 $0x2  }
0x7: {  	s15 =	simm.s32 $0x3;
	s16 =	simm.s32 $0x0;
	s4 =	sand.u32 $0x1, s4  }
.Ltmp0:
0x8: {  	s6 =	sshll.u32 s1, $0x1;
	[smem:$0x7FF] =	sst s3;
	(pc) =	sbr.rel .LBB2_1-.Ltmp0, $4  }
0x9: {  	s6 =	sor.u32 s4, s6;
	_ =	strace $0x80000047;
	s7 =	ssub.s32 $0x2, s4  }
0xa: {  	s4 =	sadd.s32 $0x24C000, s5;
	s8 =	smul.u32 $0x12600, s6;
	s9 =	sshrl.u32 s7, $0x1  }
0xb: {  	s5 =	sadd.s32 $0x498000, s5;
	s6 =	smul.u32 $0x30, s6;
	s9 =	ssub.s32 s7, s9  }
0xc: {  	v0 =	vimm.f32 $0.0e+00;
	s7 =	sadd.s32 s2, s8;
	s8 =	sadd.s32 s4, s8;
	s9 =	smax.u32 s9, $0x1  }
.LBB2_12:
0xd: {  	s16 =	sadd.s32 $0x1, s16  }
0xe: {  	_ =	swait.ge [sflag:s14], $0xC400;
	p0 =	sne.s32 s16, s9  }
.Ltmp1:
0xf: {  	[sflag:s14] =	ssyncset.done $0x0;
	(pc) =	sbr.rel @!p0 .LBB2_13-.Ltmp1, $4  }
0x10: {  	[sflag:s14] =	ssyncadd.s32 $0xFFFF3C00  }
0x11: {  	_ =	swait.ge [sflag:s15], $0xC400  }
0x12: {  	[sflag:s15] =	ssyncset.done $0x0  }
0x13: {  	[sflag:s15] =	ssyncadd.s32 $0xFFFF3C00  }
.LBB2_1:
0x14: {  	[tilespmem:s3], [sflag:$0x1] =	stream.linear.gather [hbm4b:s7+s3], $0x3100, $0x38;
	[tilespmem:$0x1EA00] =	vst v63  }
0x15: {  	s17 =	simm.s32 $0x0  }
0x16: {  	[tilespmem:s10], [sflag:$0x1] =	stream.linear.gather [hbm4b:s8+s3], $0x3100, $0x38;
	[tilespmem:$0x1EA00] =	vst v63  }
.LBB2_2:
0x17: {  	p0 =	seq.s32 s17, $0x0  }
0x18: {  	s19 =	simm.s32 @!p0 $0x2  }
0x19: {  	_ =	swait.ge @!p0 [sflag:s19], $0xC400  }
0x1a: {  	s18 =	sshll.u32 s17, $0x1;
	s20 =	simm.s32 $0x200;
	[sflag:s19] =	ssyncset.done @!p0 $0x0  }
0x1b: {  	s18 =	sadd.s32 s6, s18;
	[sflag:s19] =	ssyncadd.s32 @!p0 $0xFFFF3C00;
	s19 =	simm.s32 $0x0  }
.LBB2_3:
0x1c: {  	p1 =	sne.s32 s20, $0x30E00;
	[tilespmem:s19+$0x6270] =	vst v0  }
0x1d: {  	[tilespmem:s19+$0x6200] =	vst v0  }
0x1e: {  	[tilespmem:s19+$0x6210] =	vst v0  }
.Ltmp2:
0x1f: {  	[tilespmem:s19+$0x6220] =	vst v0;
	(pc) =	sbr.rel @p1 .LBB2_3-.Ltmp2, $4  }
0x20: {  	[tilespmem:s19+$0x6230] =	vst v0  }
0x21: {  	[tilespmem:s19+$0x6240] =	vst v0  }
0x22: {  	[tilespmem:s19+$0x6250] =	vst v0  }
0x23: {  	[tilespmem:s19+$0x6260] =	vst v0;
	s19 =	sshra.s32 s20, $0x2;
	s20 =	sadd.s32 $0x200, s20  }
0x24: {  	[tilespmem:s19+$0x6270] =	vst v0  }
0x25: {  	[tilespmem:s19+$0x6200] =	vst v0  }
0x26: {  	[tilespmem:s19+$0x6210] =	vst v0  }
0x27: {  	[tilespmem:s19+$0x6220] =	vst v0  }
0x28: {  	[tilespmem:s19+$0x6230] =	vst v0  }
0x29: {  	[tilespmem:s19+$0x6240] =	vst v0  }
0x2a: {  	[tilespmem:s19+$0x6250] =	vst v0  }
0x2b: {  	[tilespmem:s19+$0x6260] =	vst v0  }
0x2c: {  	_ =	swait.ge [sflag:s11], $0x3100  }
0x2d: {  	[sflag:s11] =	ssyncset.done $0x0  }
0x2e: {  	[sflag:s11] =	ssyncadd.s32 $0xFFFFCF00  }
0x2f: {  	s19 =	smul.u32 $0xC400, s18;
	_ =	swait.ge [sflag:s11], $0x3100  }
0x30: {  	[sflag:s11] =	ssyncset.done $0x0  }
0x31: {  	s20 =	simm.s32 $0x0;
	v1 =	vmov s19;
	[sflag:s11] =	ssyncadd.s32 $0xFFFFCF00  }
.LBB2_5:
0x32: {  	s21 =	sshra.s32 s20, $0x2  }
0x33: {  	v2 =	vld [tilespmem:s21+$0x0];
	_ =	sdelay $0x4  }
0x34: {  	v3 =	vsub.s32 v2, v1  }
0x35: {  	v2 =	vand.u32 $0x7F, v2;
	v3 =	vand.u32 $0xFFFFFF80, v3  }
0x36: {  	v4 =	vld [tilespmem:s21+$0x3100];
	v2 =	vor.u32 v2, v3;
	_ =	sdelay $0x4  }
0x37: {  	[tilespmem:v2+s12+$0x0] =	vst.idx.msk $0xffff, v4  }
0x38: {  	v2 =	vld [tilespmem:s21+$0x10];
	_ =	sdelay $0x4  }
0x39: {  	v3 =	vsub.s32 v2, v1  }
0x3a: {  	v2 =	vand.u32 $0x7F, v2;
	v3 =	vand.u32 $0xFFFFFF80, v3  }
0x3b: {  	v4 =	vld [tilespmem:s21+$0x3110];
	v2 =	vor.u32 v2, v3;
	_ =	sdelay $0x4  }
0x3c: {  	[tilespmem:v2+s12+$0x0] =	vst.idx.msk $0xffff, v4  }
0x3d: {  	v2 =	vld [tilespmem:s21+$0x20];
	_ =	sdelay $0x4  }
0x3e: {  	v3 =	vsub.s32 v2, v1  }
0x3f: {  	v2 =	vand.u32 $0x7F, v2;
	v3 =	vand.u32 $0xFFFFFF80, v3  }
0x40: {  	v4 =	vld [tilespmem:s21+$0x3120];
	v2 =	vor.u32 v2, v3;
	_ =	sdelay $0x4  }
0x41: {  	[tilespmem:v2+s12+$0x0] =	vst.idx.msk $0xffff, v4  }
0x42: {  	v2 =	vld [tilespmem:s21+$0x30];
	_ =	sdelay $0x4  }
0x43: {  	v3 =	vsub.s32 v2, v1  }
0x44: {  	v2 =	vand.u32 $0x7F, v2;
	v3 =	vand.u32 $0xFFFFFF80, v3  }
0x45: {  	p1 =	sne.s32 s20, $0xC300;
	v4 =	vld [tilespmem:s21+$0x3130];
	v2 =	vor.u32 v2, v3  }
.Ltmp3:
0x46: {  	_ = 	snop;
	(pc) =	sbr.rel @p1 .LBB2_5-.Ltmp3, $2  }
0x47: {  	_ =	sdelay $0x2  }
0x48: {  	s20 =	sadd.s32 $0x100, s20;
	[tilespmem:v2+s12+$0x0] =	vst.idx.msk $0xffff, v4  }
0x49: {  	s20 =	sshrl.u32 s19, $0x3;
	s19 =	sor.u32 $0x1, s18  }
0x4a: {  	s20 =	sadd.s32 s5, s20;
	s21 =	smul.u32 $0x620, s19  }
0x4b: {  	[hbm4b:s20+s3] =	stream.linear.scatter [tilespmem:s12], [sflag:$0x2], $0xC400, $0x38;
	[tilespmem:$0x1EA00] =	vst v63  }
0x4c: {  	s30 =	sadd.s32 s2, s21  }
0x4d: {  	[tilespmem:s3], [sflag:$0x1] =	stream.linear.gather [hbm4b:s30+s3], $0x3100, $0x38;
	[tilespmem:$0x1EA00] =	vst v63  }
0x4e: {  	s20 =	simm.s32 @!p0 $0x3;
	s31 =	sadd.s32 s4, s21  }
0x4f: {  	[tilespmem:s10], [sflag:$0x1] =	stream.linear.gather [hbm4b:s31+s3], $0x3100, $0x38;
	[tilespmem:$0x1EA00] =	vst v63  }
0x50: {  	_ =	swait.ge @!p0 [sflag:s20], $0xC400  }
0x51: {  	[sflag:s20] =	ssyncset.done @!p0 $0x0  }
0x52: {  	s21 =	simm.s32 $0x200;
	[sflag:s20] =	ssyncadd.s32 @!p0 $0xFFFF3C00;
	s20 =	simm.s32 $0x0  }
.LBB2_7:
0x53: {  	p0 =	sne.s32 s21, $0x30E00;
	[tilespmem:s20+$0x12670] =	vst v0  }
0x54: {  	[tilespmem:s20+$0x12600] =	vst v0  }
0x55: {  	[tilespmem:s20+$0x12610] =	vst v0  }
.Ltmp4:
0x56: {  	[tilespmem:s20+$0x12620] =	vst v0;
	(pc) =	sbr.rel @p0 .LBB2_7-.Ltmp4, $4  }
0x57: {  	[tilespmem:s20+$0x12630] =	vst v0  }
0x58: {  	[tilespmem:s20+$0x12640] =	vst v0  }
0x59: {  	[tilespmem:s20+$0x12650] =	vst v0  }
0x5a: {  	[tilespmem:s20+$0x12660] =	vst v0;
	s20 =	sshra.s32 s21, $0x2;
	s21 =	sadd.s32 $0x200, s21  }
0x5b: {  	[tilespmem:s20+$0x12670] =	vst v0  }
0x5c: {  	[tilespmem:s20+$0x12600] =	vst v0  }
0x5d: {  	[tilespmem:s20+$0x12610] =	vst v0  }
0x5e: {  	[tilespmem:s20+$0x12620] =	vst v0  }
0x5f: {  	[tilespmem:s20+$0x12630] =	vst v0  }
0x60: {  	[tilespmem:s20+$0x12640] =	vst v0  }
0x61: {  	[tilespmem:s20+$0x12650] =	vst v0  }
0x62: {  	[tilespmem:s20+$0x12660] =	vst v0  }
0x63: {  	_ =	swait.ge [sflag:s11], $0x3100  }
0x64: {  	[sflag:s11] =	ssyncset.done $0x0  }
0x65: {  	[sflag:s11] =	ssyncadd.s32 $0xFFFFCF00  }
0x66: {  	s19 =	smul.u32 $0xC400, s19;
	_ =	swait.ge [sflag:s11], $0x3100  }
0x67: {  	[sflag:s11] =	ssyncset.done $0x0  }
0x68: {  	s20 =	simm.s32 $0x0;
	v1 =	vmov s19;
	[sflag:s11] =	ssyncadd.s32 $0xFFFFCF00  }
.LBB2_9:
0x69: {  	s21 =	sshra.s32 s20, $0x2  }
0x6a: {  	v2 =	vld [tilespmem:s21+$0x0];
	_ =	sdelay $0x4  }
0x6b: {  	v3 =	vsub.s32 v2, v1  }
0x6c: {  	v2 =	vand.u32 $0x7F, v2;
	v3 =	vand.u32 $0xFFFFFF80, v3  }
0x6d: {  	v4 =	vld [tilespmem:s21+$0x3100];
	v2 =	vor.u32 v2, v3;
	_ =	sdelay $0x4  }
0x6e: {  	[tilespmem:v2+s13+$0x0] =	vst.idx.msk $0xffff, v4  }
0x6f: {  	v2 =	vld [tilespmem:s21+$0x10];
	_ =	sdelay $0x4  }
0x70: {  	v3 =	vsub.s32 v2, v1  }
0x71: {  	v2 =	vand.u32 $0x7F, v2;
	v3 =	vand.u32 $0xFFFFFF80, v3  }
0x72: {  	v4 =	vld [tilespmem:s21+$0x3110];
	v2 =	vor.u32 v2, v3;
	_ =	sdelay $0x4  }
0x73: {  	[tilespmem:v2+s13+$0x0] =	vst.idx.msk $0xffff, v4  }
0x74: {  	v2 =	vld [tilespmem:s21+$0x20];
	_ =	sdelay $0x4  }
0x75: {  	v3 =	vsub.s32 v2, v1  }
0x76: {  	v2 =	vand.u32 $0x7F, v2;
	v3 =	vand.u32 $0xFFFFFF80, v3  }
0x77: {  	v4 =	vld [tilespmem:s21+$0x3120];
	v2 =	vor.u32 v2, v3;
	_ =	sdelay $0x4  }
0x78: {  	[tilespmem:v2+s13+$0x0] =	vst.idx.msk $0xffff, v4  }
0x79: {  	v2 =	vld [tilespmem:s21+$0x30];
	_ =	sdelay $0x4  }
0x7a: {  	v3 =	vsub.s32 v2, v1  }
0x7b: {  	v2 =	vand.u32 $0x7F, v2;
	v3 =	vand.u32 $0xFFFFFF80, v3  }
0x7c: {  	p0 =	sne.s32 s20, $0xC300;
	v4 =	vld [tilespmem:s21+$0x3130];
	v2 =	vor.u32 v2, v3  }
.Ltmp5:
0x7d: {  	_ = 	snop;
	(pc) =	sbr.rel @p0 .LBB2_9-.Ltmp5, $2  }
0x7e: {  	_ =	sdelay $0x2  }
0x7f: {  	s20 =	sadd.s32 $0x100, s20;
	[tilespmem:v2+s13+$0x0] =	vst.idx.msk $0xffff, v4  }
0x80: {  	p0 =	seq.s32 s17, $0x17  }
.Ltmp6:
0x81: {  	_ = 	snop;
	(pc) =	sbr.rel @p0 .LBB2_12-.Ltmp6, $4  }
0x82: {  	_ = 	snop  }
0x83: {  	s19 =	sshrl.u32 s19, $0x3  }
0x84: {  	s19 =	sadd.s32 s5, s19  }
0x85: {  	[hbm4b:s19+s3] =	stream.linear.scatter [tilespmem:s13], [sflag:$0x3], $0xC400, $0x38;
	[tilespmem:$0x1EA00] =	vst v63  }
0x86: {  	s18 =	smul.u32 $0x3100, s18;
	_ =	sdelay $0x1  }
0x87: {  	s18 =	sshrl.u32 s18, $0x3  }
.Ltmp7:
0x88: {  	s18 =	sadd.s32 $0xC40, s18;
	(pc) =	sbr.rel .LBB2_2-.Ltmp7, $4  }
0x89: {  	s19 =	sadd.s32 s2, s18  }
0x8a: {  	[tilespmem:s3], [sflag:$0x1] =	stream.linear.gather [hbm4b:s19+s3], $0x3100, $0x38;
	[tilespmem:$0x1EA00] =	vst v63  }
0x8b: {  	s17 =	sadd.s32 $0x1, s17;
	s18 =	sadd.s32 s4, s18  }
0x8c: {  	[tilespmem:s10], [sflag:$0x1] =	stream.linear.gather [hbm4b:s18+s3], $0x3100, $0x38;
	[tilespmem:$0x1EA00] =	vst v63  }
.LBB2_13:
0x8d: {  	_ =	sfence.sel $0x180000  }
0x8e: {  	[bflag:$0x0] =	sbarrier.arrive $0xFFFF  }
0x8f: {  	p0 =	sne.s32 s1, $0x0;
	_ =	strace $0x90000047  }
0x90: {  	s0 =	sadd.s32 @!p0 $0x100000, s0;
	[bflag:$0x2] =	sbarrier.arrive $0xFFFF  }
0x91: {  	[sflag:s0] =	ssyncadd.tile.s32 @!p0 $0x1;
	_ =	shalt  }
.Lfunc_end2:
_tile_overlayer_lowered:
.L_overlay_start_2:
0x92: {  	(tag) =	ssettag $0x2  }
0x93: {  	s0 =	rddreg [dreg:$0x0];
	s2 =	stileid.u32  }
0x94: {  	s1 =	rddreg [dreg:$0x1];
	p0 =	sne.s32 s2, $0x0  }
0x95: {  	s3 =	rddreg [dreg:$0x2];
	[bflag:$0x3] =	sbarrier.arrive $0xFFFF;
	s2 =	simm.s32 @!p0 $0x1C04  }
0x96: {  	[timem:s3], [sflag:s2] =	dma.local @!p0 [hbm:s0], s1  }
0x97: {  	s0 =	simm.s32 @!p0 $0x4  }
0x98: {  	_ =	swait.ge @!p0 [sflag:s0], s1  }
0x99: {  	s1 =	ssub.s32 @!p0 $0x0, s1;
	[sflag:s0] =	ssyncset.done @!p0 $0x0  }
0x9a: {  	[sflag:s0] =	ssyncadd.s32 @!p0 s1  }
0x9b: {  	[bflag:$0x3] =	sbarrier.arrive $0xFFFF  }
0x9c: {  	_ =	shalt  }

</sc_bundles>
